<compile_context>
chip_gen: v7x
topology: tpu7x:2x2x1
jax: 0.10.2.dev20260603
libtpu: 0.0.44.dev20260713+nightly
codegen_flags: <defaults>
</compile_context>

<pallas_src>
import functools

import jax
import jax.numpy as jnp
from jax import lax
from jax.experimental import pallas as pl
from jax.experimental.pallas import tpu as pltpu
from jax.experimental.pallas import tpu_sc as plsc

_N_TOKENS = 1000000
_D_PROJ = 128
_CUT0 = 20000
_CUT1 = 100000
_SCALE = float(_D_PROJ) ** 0.5

_ROWS_PER_BLK = 10000
_N_BLKS = _N_TOKENS // _ROWS_PER_BLK
_B0 = _CUT0 // _ROWS_PER_BLK
_B1 = _CUT1 // _ROWS_PER_BLK

_CHUNK = 128


def _preproject_body(emb0_ref, emb1_ref, emb2_ref, p0_ref, p1_ref, p2_ref,
                     out_ref):
    g = pl.program_id(0)

    @pl.when(g < _B0)
    def _():
        out_ref[...] = lax.dot_general(
            emb0_ref[...], p0_ref[...] * _SCALE,
            (((1,), (1,)), ((), ())),
            preferred_element_type=jnp.float32)

    @pl.when((g >= _B0) & (g < _B1))
    def _():
        out_ref[...] = lax.dot_general(
            emb1_ref[...], p1_ref[...] * _SCALE,
            (((1,), (1,)), ((), ())),
            preferred_element_type=jnp.float32)

    @pl.when(g >= _B1)
    def _():
        out_ref[...] = lax.dot_general(
            emb2_ref[...], p2_ref[...] * _SCALE,
            (((1,), (1,)), ((), ())),
            preferred_element_type=jnp.float32)


def _preproject(emb0, emb1, emb2, proj0, proj1, proj2):
    return pl.pallas_call(
        _preproject_body,
        grid=(_N_BLKS,),
        in_specs=[
            pl.BlockSpec((_ROWS_PER_BLK, 128),
                         lambda g: (jnp.minimum(g, _B0 - 1), 0)),
            pl.BlockSpec((_ROWS_PER_BLK, 32),
                         lambda g: (jnp.clip(g - _B0, 0, _B1 - _B0 - 1), 0)),
            pl.BlockSpec((_ROWS_PER_BLK, 8),
                         lambda g: (jnp.clip(g - _B1, 0, _N_BLKS - _B1 - 1), 0)),
            pl.BlockSpec((128, 128), lambda g: (0, 0)),
            pl.BlockSpec((128, 32), lambda g: (0, 0)),
            pl.BlockSpec((128, 8), lambda g: (0, 0)),
        ],
        out_specs=pl.BlockSpec((_ROWS_PER_BLK, 128), lambda g: (g, 0)),
        out_shape=jax.ShapeDtypeStruct((_N_TOKENS, _D_PROJ), jnp.float32),
    )(emb0, emb1, emb2, proj0, proj1, proj2)


def _gather(pt, idx):
    n_tok = idx.shape[0]
    info = plsc.get_sparse_core_info()
    nw = info.num_cores * info.num_subcores
    per_w = n_tok // nw
    n_chunks = per_w // _CHUNK
    mesh = plsc.VectorSubcoreMesh(core_axis_name="c", subcore_axis_name="s")

    @functools.partial(
        pl.kernel,
        mesh=mesh,
        out_type=jax.ShapeDtypeStruct((n_tok, _D_PROJ), jnp.float32),
        scratch_types=[
            pltpu.VMEM((per_w,), jnp.int32),
            pltpu.VMEM((_CHUNK, _D_PROJ), jnp.float32),
            pltpu.VMEM((_CHUNK, _D_PROJ), jnp.float32),
            pltpu.VMEM((_CHUNK, _D_PROJ), jnp.float32),
            pltpu.VMEM((_CHUNK, _D_PROJ), jnp.float32),
            pltpu.SemaphoreType.DMA,
            pltpu.SemaphoreType.DMA,
            pltpu.SemaphoreType.DMA,
            pltpu.SemaphoreType.DMA,
            pltpu.SemaphoreType.DMA,
            pltpu.SemaphoreType.DMA,
            pltpu.SemaphoreType.DMA,
            pltpu.SemaphoreType.DMA,
        ],
    )
    def sc_gather(pt_hbm, idx_hbm, out_hbm, idx_v, row0, row1, row2, row3,
                  sg0, sg1, sg2, sg3, ss0, ss1, ss2, ss3):
        wid = lax.axis_index("s") * info.num_cores + lax.axis_index("c")
        base = wid * per_w
        pltpu.sync_copy(idx_hbm.at[pl.ds(base, per_w)], idx_v)

        rows = (row0, row1, row2, row3)
        sgs = (sg0, sg1, sg2, sg3)
        sss = (ss0, ss1, ss2, ss3)

        def start_gather(j, b):
            pltpu.async_copy(
                pt_hbm.at[idx_v.at[pl.ds(j * _CHUNK, _CHUNK)]], rows[b],
                sgs[b])

        def start_store(j, b):
            pltpu.async_copy(
                rows[b], out_hbm.at[pl.ds(base + j * _CHUNK, _CHUNK)],
                sss[b])

        def wait_gather(b):
            pltpu.make_async_copy(pt_hbm.at[idx_v.at[pl.ds(0, _CHUNK)]],
                                  rows[b], sgs[b]).wait()

        def wait_store(b):
            pltpu.make_async_copy(rows[b],
                                  out_hbm.at[pl.ds(base, _CHUNK)],
                                  sss[b]).wait()

        start_gather(0, 0)
        start_gather(1, 1)
        start_gather(2, 2)
        start_gather(3, 3)
        wait_gather(0)
        start_store(0, 0)

        def step(j, b):
            bp = (b + 3) % 4
            wait_store(bp)
            start_gather(j + 3, bp)
            wait_gather(b)
            start_store(j, b)

        def body(p, _):
            step(4 * p + 1, 1)
            step(4 * p + 2, 2)
            step(4 * p + 3, 3)
            step(4 * p + 4, 0)
            return 0

        lax.fori_loop(0, (n_chunks - 4) // 4, body, 0)

        wait_gather(1)
        start_store(n_chunks - 3, 1)
        wait_gather(2)
        start_store(n_chunks - 2, 2)
        wait_gather(3)
        start_store(n_chunks - 1, 3)
        wait_store(0)
        wait_store(1)
        wait_store(2)
        wait_store(3)

    return sc_gather(pt, idx)


def kernel(indices, emb0, emb1, emb2, proj0, proj1, proj2):
    pt = _preproject(emb0, emb1, emb2, proj0, proj1, proj2)
    idx = indices.reshape(-1)
    out = _gather(pt, idx)
    return out.reshape(indices.shape + (_D_PROJ,))

# --- scband reference (transcript-rebuilt; emitter-appended) ---
"""Pipeline reference for scband-adaptive-embedding-72730976191126 (READ-ONLY COPY).

The authoritative reference and input builder live on the scoring server;
editing this copy changes nothing except your own understanding.
"""

import jax, jax.numpy as jnp
import numpy as np

N_TOKENS = 1000000
D_EMBED = 128
D_PROJ = 128
DIV_VAL = 4
CUTOFFS = [20000, 100000, N_TOKENS]
CUTOFF_ENDS = [0] + CUTOFFS
EMB_SCALE = float(D_PROJ) ** 0.5


def setup_inputs(seed: int = 0) -> dict:
    key = jax.random.key(seed)
    ks = jax.random.split(key, 8)
    indices = jax.random.randint(ks[0], (4096, 200), 0, N_TOKENS, dtype=jnp.int32)
    embs = {}
    projs = {}
    for i in range(len(CUTOFFS)):
        l_idx, r_idx = CUTOFF_ENDS[i], CUTOFF_ENDS[i + 1]
        d_emb_i = D_EMBED // (DIV_VAL ** i)
        embs[f"emb{i}"] = jax.random.normal(ks[1 + i], (r_idx - l_idx, d_emb_i), dtype=jnp.float32) * 0.02
        # nn.Linear(d_emb_i, d_proj).weight has shape [d_proj, d_emb_i]
        projs[f"proj{i}"] = jax.random.normal(ks[4 + i], (D_PROJ, d_emb_i), dtype=jnp.float32) * 0.02
    out = {"indices": indices}
    out.update(embs)
    out.update(projs)
    return out


def reference(indices, emb0, emb1, emb2, proj0, proj1, proj2):
    embs = [emb0, emb1, emb2]
    projs = [proj0, proj1, proj2]
    idx_flat = indices.reshape(-1)
    emb_flat = jnp.zeros((idx_flat.shape[0], D_PROJ), dtype=emb0.dtype)
    for i in range(len(CUTOFFS)):
        l_idx, r_idx = CUTOFF_ENDS[i], CUTOFF_ENDS[i + 1]
        mask_i = (idx_flat >= l_idx) & (idx_flat < r_idx)
        # clamp so gather indices stay in range; masked out afterwards
        idx_i = jnp.clip(idx_flat - l_idx, 0, r_idx - l_idx - 1)
        emb_i = jnp.take(embs[i], idx_i, axis=0)          # gather  [T, d_emb_i]
        emb_i = emb_i @ projs[i].T                          # F.linear -> [T, d_proj]
        emb_flat = emb_flat + jnp.where(mask_i[:, None], emb_i, jnp.zeros_like(emb_i))
    embed = emb_flat.reshape(indices.shape + (D_PROJ,))
    return embed * EMB_SCALE

if __name__ == "__main__":
    import jax
    _d = setup_inputs()
    print(jax.jit(kernel)(*tuple(_d.values())))

</pallas_src>

<mosaic_0001>
#map = affine_map<(d0, d1) -> (0, 0)>
#map1 = affine_map<(d0, d1) -> (0)>
module attributes {stable_mosaic.version = 14 : i64} {
  func.func @sc_gather(%arg0: i32, %arg1: i32, %arg2: memref<1000000x128xf32, #tpu.memory_space<hbm>>, %arg3: memref<819200xi32, #tpu.memory_space<hbm>>, %arg4: memref<819200x128xf32, #tpu.memory_space<hbm>>, %arg5: memref<25600xi32, #tpu.memory_space<vmem>>, %arg6: memref<128x128xf32, #tpu.memory_space<vmem>>, %arg7: memref<128x128xf32, #tpu.memory_space<vmem>>, %arg8: memref<128x128xf32, #tpu.memory_space<vmem>>, %arg9: memref<128x128xf32, #tpu.memory_space<vmem>>, %arg10: memref<!tpu.dma_semaphore, #tpu.memory_space<semaphore_mem>>, %arg11: memref<!tpu.dma_semaphore, #tpu.memory_space<semaphore_mem>>, %arg12: memref<!tpu.dma_semaphore, #tpu.memory_space<semaphore_mem>>, %arg13: memref<!tpu.dma_semaphore, #tpu.memory_space<semaphore_mem>>, %arg14: memref<!tpu.dma_semaphore, #tpu.memory_space<semaphore_mem>>, %arg15: memref<!tpu.dma_semaphore, #tpu.memory_space<semaphore_mem>>, %arg16: memref<!tpu.dma_semaphore, #tpu.memory_space<semaphore_mem>>, %arg17: memref<!tpu.dma_semaphore, #tpu.memory_space<semaphore_mem>>) attributes {dimension_semantics = [#tpu.dimension_semantics<core_parallel>, #tpu.dimension_semantics<subcore_parallel>], iteration_bounds = array<i64: 2, 16>, scalar_prefetch = 0 : i64, scratch_operands = 13 : i64, tpu.core_type = #tpu.core_type<sc_vector_subcore>, window_params = [{transform_indices = #map}, {transform_indices = #map1}, {transform_indices = #map}]} {
    %mul3A = arith.constant 2 : i32
    %mul3A_0 = arith.muli %arg1, %mul3A : i32
    %add3A = arith.addi %mul3A_0, %arg0 : i32
    %mul3A_1 = arith.constant 25600 : i32
    %mul3A_2 = arith.muli %add3A, %mul3A_1 : i32
    "tpu.region"() ({
      %run_scoped3A = tpu.sem_alloc : memref<!tpu.dma_semaphore, #tpu.memory_space<semaphore_mem>>
      %dma_start3A_87 = tpu.memref_slice %arg3[%mul3A_2] : memref<819200xi32, #tpu.memory_space<hbm>> -> memref<25600xi32, #tpu.memory_space<hbm>>
      %dma_start3A_88 = tpu.memref_slice %arg3[%mul3A_2] : memref<819200xi32, #tpu.memory_space<hbm>> -> memref<25600xi32, #tpu.memory_space<hbm>>
      tpu.enqueue_dma source(%dma_start3A_88 : memref<25600xi32, #tpu.memory_space<hbm>>) target(%arg5 : memref<25600xi32, #tpu.memory_space<vmem>>) target_semaphore(%run_scoped3A : memref<!tpu.dma_semaphore, #tpu.memory_space<semaphore_mem>>)
      %dma_wait3A_89 = tpu.memref_slice %arg3[%mul3A_2] : memref<819200xi32, #tpu.memory_space<hbm>> -> memref<25600xi32, #tpu.memory_space<hbm>>
      %dma_wait3A_90 = tpu.memref_slice %arg3[%mul3A_2] : memref<819200xi32, #tpu.memory_space<hbm>> -> memref<25600xi32, #tpu.memory_space<hbm>>
      tpu.wait_dma2 semaphore(%run_scoped3A : memref<!tpu.dma_semaphore, #tpu.memory_space<semaphore_mem>>) src(%dma_wait3A_90 : memref<25600xi32, #tpu.memory_space<hbm>>) dst(%arg5 : memref<25600xi32, #tpu.memory_space<vmem>>)
      tpu.yield
    }) : () -> ()
    %dma_start3A = arith.constant 0 : i32
    %dma_start3A_3 = tpu.memref_slice %arg5[%dma_start3A] : memref<25600xi32, #tpu.memory_space<vmem>> -> memref<128xi32, #tpu.memory_space<vmem>>
    %dma_start3A_4 = arith.constant 0 : i32
    %dma_start3A_5 = arith.constant 0 : i32
    %dma_start3A_6 = tpu.memref_slice %arg2[%dma_start3A_4, %dma_start3A_5] : memref<1000000x128xf32, #tpu.memory_space<hbm>> -> memref<1000000x128xf32, #tpu.memory_space<hbm>>
    tpu.enqueue_indirect_dma source(%dma_start3A_6 : memref<1000000x128xf32, #tpu.memory_space<hbm>>) target(%arg6 : memref<128x128xf32, #tpu.memory_space<vmem>>) offsets(%dma_start3A_3 : memref<128xi32, #tpu.memory_space<vmem>>) semaphore(%arg10 : memref<!tpu.dma_semaphore, #tpu.memory_space<semaphore_mem>>)
    %dma_start3A_7 = arith.constant 128 : i32
    %dma_start3A_8 = tpu.memref_slice %arg5[%dma_start3A_7] : memref<25600xi32, #tpu.memory_space<vmem>> -> memref<128xi32, #tpu.memory_space<vmem>>
    %dma_start3A_9 = arith.constant 0 : i32
    %dma_start3A_10 = arith.constant 0 : i32
    %dma_start3A_11 = tpu.memref_slice %arg2[%dma_start3A_9, %dma_start3A_10] : memref<1000000x128xf32, #tpu.memory_space<hbm>> -> memref<1000000x128xf32, #tpu.memory_space<hbm>>
    tpu.enqueue_indirect_dma source(%dma_start3A_11 : memref<1000000x128xf32, #tpu.memory_space<hbm>>) target(%arg7 : memref<128x128xf32, #tpu.memory_space<vmem>>) offsets(%dma_start3A_8 : memref<128xi32, #tpu.memory_space<vmem>>) semaphore(%arg11 : memref<!tpu.dma_semaphore, #tpu.memory_space<semaphore_mem>>)
    %dma_start3A_12 = arith.constant 256 : i32
    %dma_start3A_13 = tpu.memref_slice %arg5[%dma_start3A_12] : memref<25600xi32, #tpu.memory_space<vmem>> -> memref<128xi32, #tpu.memory_space<vmem>>
    %dma_start3A_14 = arith.constant 0 : i32
    %dma_start3A_15 = arith.constant 0 : i32
    %dma_start3A_16 = tpu.memref_slice %arg2[%dma_start3A_14, %dma_start3A_15] : memref<1000000x128xf32, #tpu.memory_space<hbm>> -> memref<1000000x128xf32, #tpu.memory_space<hbm>>
    tpu.enqueue_indirect_dma source(%dma_start3A_16 : memref<1000000x128xf32, #tpu.memory_space<hbm>>) target(%arg8 : memref<128x128xf32, #tpu.memory_space<vmem>>) offsets(%dma_start3A_13 : memref<128xi32, #tpu.memory_space<vmem>>) semaphore(%arg12 : memref<!tpu.dma_semaphore, #tpu.memory_space<semaphore_mem>>)
    %dma_start3A_17 = arith.constant 384 : i32
    %dma_start3A_18 = tpu.memref_slice %arg5[%dma_start3A_17] : memref<25600xi32, #tpu.memory_space<vmem>> -> memref<128xi32, #tpu.memory_space<vmem>>
    %dma_start3A_19 = arith.constant 0 : i32
    %dma_start3A_20 = arith.constant 0 : i32
    %dma_start3A_21 = tpu.memref_slice %arg2[%dma_start3A_19, %dma_start3A_20] : memref<1000000x128xf32, #tpu.memory_space<hbm>> -> memref<1000000x128xf32, #tpu.memory_space<hbm>>
    tpu.enqueue_indirect_dma source(%dma_start3A_21 : memref<1000000x128xf32, #tpu.memory_space<hbm>>) target(%arg9 : memref<128x128xf32, #tpu.memory_space<vmem>>) offsets(%dma_start3A_18 : memref<128xi32, #tpu.memory_space<vmem>>) semaphore(%arg13 : memref<!tpu.dma_semaphore, #tpu.memory_space<semaphore_mem>>)
    %dma_wait3A = arith.constant 0 : i32
    %dma_wait3A_22 = tpu.memref_slice %arg5[%dma_wait3A] : memref<25600xi32, #tpu.memory_space<vmem>> -> memref<128xi32, #tpu.memory_space<vmem>>
    %dma_wait3A_23 = arith.constant 0 : i32
    %dma_wait3A_24 = arith.constant 0 : i32
    %dma_wait3A_25 = tpu.memref_slice %arg2[%dma_wait3A_23, %dma_wait3A_24] : memref<1000000x128xf32, #tpu.memory_space<hbm>> -> memref<1000000x128xf32, #tpu.memory_space<hbm>>
    tpu.wait_indirect_dma semaphore(%arg10 : memref<!tpu.dma_semaphore, #tpu.memory_space<semaphore_mem>>) src(%dma_wait3A_25 : memref<1000000x128xf32, #tpu.memory_space<hbm>>) dst(%arg6 : memref<128x128xf32, #tpu.memory_space<vmem>>)
    %add3A_26 = arith.constant 0 : i32
    %add3A_27 = arith.addi %mul3A_2, %add3A_26 : i32
    %dma_start3A_28 = arith.constant 0 : i32
    %dma_start3A_29 = tpu.memref_slice %arg4[%add3A_27, %dma_start3A_28] : memref<819200x128xf32, #tpu.memory_space<hbm>> -> memref<128x128xf32, #tpu.memory_space<hbm>>
    %dma_start3A_30 = arith.constant 0 : i32
    %dma_start3A_31 = tpu.memref_slice %arg4[%add3A_27, %dma_start3A_30] : memref<819200x128xf32, #tpu.memory_space<hbm>> -> memref<128x128xf32, #tpu.memory_space<hbm>>
    tpu.enqueue_dma source(%arg6 : memref<128x128xf32, #tpu.memory_space<vmem>>) target(%dma_start3A_31 : memref<128x128xf32, #tpu.memory_space<hbm>>) target_semaphore(%arg14 : memref<!tpu.dma_semaphore, #tpu.memory_space<semaphore_mem>>)
    %scan3A = arith.constant 0 : i32
    %scan3A_32 = arith.constant 0 : i32
    %scan3A_33 = arith.constant 49 : i32
    %scan3A_34 = arith.addi %scan3A_32, %scan3A_33 : i32
    %scan3A_35 = arith.constant 1 : i32
    %scan3A_36 = scf.for %scan3A_87 = %scan3A_32 to %scan3A_34 step %scan3A_35 iter_args(%scan3A_88 = %scan3A) -> (i32)  : i32 {
      %mul3A_89 = arith.constant 4 : i32
      %mul3A_90 = arith.muli %mul3A_89, %scan3A_87 : i32
      %add3A_91 = arith.constant 1 : i32
      %add3A_92 = arith.addi %mul3A_90, %add3A_91 : i32
      %dma_wait3A_93 = arith.constant 0 : i32
      %dma_wait3A_94 = tpu.memref_slice %arg4[%mul3A_2, %dma_wait3A_93] : memref<819200x128xf32, #tpu.memory_space<hbm>> -> memref<128x128xf32, #tpu.memory_space<hbm>>
      %dma_wait3A_95 = arith.constant 0 : i32
      %dma_wait3A_96 = tpu.memref_slice %arg4[%mul3A_2, %dma_wait3A_95] : memref<819200x128xf32, #tpu.memory_space<hbm>> -> memref<128x128xf32, #tpu.memory_space<hbm>>
      tpu.wait_dma2 semaphore(%arg14 : memref<!tpu.dma_semaphore, #tpu.memory_space<semaphore_mem>>) src(%arg6 : memref<128x128xf32, #tpu.memory_space<vmem>>) dst(%dma_wait3A_96 : memref<128x128xf32, #tpu.memory_space<hbm>>)
      %add3A_97 = arith.constant 3 : i32
      %add3A_98 = arith.addi %add3A_92, %add3A_97 : i32
      %mul3A_99 = arith.constant 128 : i32
      %mul3A_100 = arith.muli %add3A_98, %mul3A_99 : i32
      %dma_start3A_101 = tpu.memref_slice %arg5[%mul3A_100] : memref<25600xi32, #tpu.memory_space<vmem>> -> memref<128xi32, #tpu.memory_space<vmem>>
      %dma_start3A_102 = arith.constant 0 : i32
      %dma_start3A_103 = arith.constant 0 : i32
      %dma_start3A_104 = tpu.memref_slice %arg2[%dma_start3A_102, %dma_start3A_103] : memref<1000000x128xf32, #tpu.memory_space<hbm>> -> memref<1000000x128xf32, #tpu.memory_space<hbm>>
      tpu.enqueue_indirect_dma source(%dma_start3A_104 : memref<1000000x128xf32, #tpu.memory_space<hbm>>) target(%arg6 : memref<128x128xf32, #tpu.memory_space<vmem>>) offsets(%dma_start3A_101 : memref<128xi32, #tpu.memory_space<vmem>>) semaphore(%arg10 : memref<!tpu.dma_semaphore, #tpu.memory_space<semaphore_mem>>)
      %dma_wait3A_105 = arith.constant 0 : i32
      %dma_wait3A_106 = tpu.memref_slice %arg5[%dma_wait3A_105] : memref<25600xi32, #tpu.memory_space<vmem>> -> memref<128xi32, #tpu.memory_space<vmem>>
      %dma_wait3A_107 = arith.constant 0 : i32
      %dma_wait3A_108 = arith.constant 0 : i32
      %dma_wait3A_109 = tpu.memref_slice %arg2[%dma_wait3A_107, %dma_wait3A_108] : memref<1000000x128xf32, #tpu.memory_space<hbm>> -> memref<1000000x128xf32, #tpu.memory_space<hbm>>
      tpu.wait_indirect_dma semaphore(%arg11 : memref<!tpu.dma_semaphore, #tpu.memory_space<semaphore_mem>>) src(%dma_wait3A_109 : memref<1000000x128xf32, #tpu.memory_space<hbm>>) dst(%arg7 : memref<128x128xf32, #tpu.memory_space<vmem>>)
      %mul3A_110 = arith.constant 128 : i32
      %mul3A_111 = arith.muli %add3A_92, %mul3A_110 : i32
      %add3A_112 = arith.addi %mul3A_2, %mul3A_111 : i32
      %dma_start3A_113 = arith.constant 0 : i32
      %dma_start3A_114 = tpu.memref_slice %arg4[%add3A_112, %dma_start3A_113] : memref<819200x128xf32, #tpu.memory_space<hbm>> -> memref<128x128xf32, #tpu.memory_space<hbm>>
      %dma_start3A_115 = arith.constant 0 : i32
      %dma_start3A_116 = tpu.memref_slice %arg4[%add3A_112, %dma_start3A_115] : memref<819200x128xf32, #tpu.memory_space<hbm>> -> memref<128x128xf32, #tpu.memory_space<hbm>>
      tpu.enqueue_dma source(%arg7 : memref<128x128xf32, #tpu.memory_space<vmem>>) target(%dma_start3A_116 : memref<128x128xf32, #tpu.memory_space<hbm>>) target_semaphore(%arg15 : memref<!tpu.dma_semaphore, #tpu.memory_space<semaphore_mem>>)
      %mul3A_117 = arith.constant 4 : i32
      %mul3A_118 = arith.muli %mul3A_117, %scan3A_87 : i32
      %add3A_119 = arith.constant 2 : i32
      %add3A_120 = arith.addi %mul3A_118, %add3A_119 : i32
      %dma_wait3A_121 = arith.constant 0 : i32
      %dma_wait3A_122 = tpu.memref_slice %arg4[%mul3A_2, %dma_wait3A_121] : memref<819200x128xf32, #tpu.memory_space<hbm>> -> memref<128x128xf32, #tpu.memory_space<hbm>>
      %dma_wait3A_123 = arith.constant 0 : i32
      %dma_wait3A_124 = tpu.memref_slice %arg4[%mul3A_2, %dma_wait3A_123] : memref<819200x128xf32, #tpu.memory_space<hbm>> -> memref<128x128xf32, #tpu.memory_space<hbm>>
      tpu.wait_dma2 semaphore(%arg15 : memref<!tpu.dma_semaphore, #tpu.memory_space<semaphore_mem>>) src(%arg7 : memref<128x128xf32, #tpu.memory_space<vmem>>) dst(%dma_wait3A_124 : memref<128x128xf32, #tpu.memory_space<hbm>>)
      %add3A_125 = arith.constant 3 : i32
      %add3A_126 = arith.addi %add3A_120, %add3A_125 : i32
      %mul3A_127 = arith.constant 128 : i32
      %mul3A_128 = arith.muli %add3A_126, %mul3A_127 : i32
      %dma_start3A_129 = tpu.memref_slice %arg5[%mul3A_128] : memref<25600xi32, #tpu.memory_space<vmem>> -> memref<128xi32, #tpu.memory_space<vmem>>
      %dma_start3A_130 = arith.constant 0 : i32
      %dma_start3A_131 = arith.constant 0 : i32
      %dma_start3A_132 = tpu.memref_slice %arg2[%dma_start3A_130, %dma_start3A_131] : memref<1000000x128xf32, #tpu.memory_space<hbm>> -> memref<1000000x128xf32, #tpu.memory_space<hbm>>
      tpu.enqueue_indirect_dma source(%dma_start3A_132 : memref<1000000x128xf32, #tpu.memory_space<hbm>>) target(%arg7 : memref<128x128xf32, #tpu.memory_space<vmem>>) offsets(%dma_start3A_129 : memref<128xi32, #tpu.memory_space<vmem>>) semaphore(%arg11 : memref<!tpu.dma_semaphore, #tpu.memory_space<semaphore_mem>>)
      %dma_wait3A_133 = arith.constant 0 : i32
      %dma_wait3A_134 = tpu.memref_slice %arg5[%dma_wait3A_133] : memref<25600xi32, #tpu.memory_space<vmem>> -> memref<128xi32, #tpu.memory_space<vmem>>
      %dma_wait3A_135 = arith.constant 0 : i32
      %dma_wait3A_136 = arith.constant 0 : i32
      %dma_wait3A_137 = tpu.memref_slice %arg2[%dma_wait3A_135, %dma_wait3A_136] : memref<1000000x128xf32, #tpu.memory_space<hbm>> -> memref<1000000x128xf32, #tpu.memory_space<hbm>>
      tpu.wait_indirect_dma semaphore(%arg12 : memref<!tpu.dma_semaphore, #tpu.memory_space<semaphore_mem>>) src(%dma_wait3A_137 : memref<1000000x128xf32, #tpu.memory_space<hbm>>) dst(%arg8 : memref<128x128xf32, #tpu.memory_space<vmem>>)
      %mul3A_138 = arith.constant 128 : i32
      %mul3A_139 = arith.muli %add3A_120, %mul3A_138 : i32
      %add3A_140 = arith.addi %mul3A_2, %mul3A_139 : i32
      %dma_start3A_141 = arith.constant 0 : i32
      %dma_start3A_142 = tpu.memref_slice %arg4[%add3A_140, %dma_start3A_141] : memref<819200x128xf32, #tpu.memory_space<hbm>> -> memref<128x128xf32, #tpu.memory_space<hbm>>
      %dma_start3A_143 = arith.constant 0 : i32
      %dma_start3A_144 = tpu.memref_slice %arg4[%add3A_140, %dma_start3A_143] : memref<819200x128xf32, #tpu.memory_space<hbm>> -> memref<128x128xf32, #tpu.memory_space<hbm>>
      tpu.enqueue_dma source(%arg8 : memref<128x128xf32, #tpu.memory_space<vmem>>) target(%dma_start3A_144 : memref<128x128xf32, #tpu.memory_space<hbm>>) target_semaphore(%arg16 : memref<!tpu.dma_semaphore, #tpu.memory_space<semaphore_mem>>)
      %mul3A_145 = arith.constant 4 : i32
      %mul3A_146 = arith.muli %mul3A_145, %scan3A_87 : i32
      %add3A_147 = arith.constant 3 : i32
      %add3A_148 = arith.addi %mul3A_146, %add3A_147 : i32
      %dma_wait3A_149 = arith.constant 0 : i32
      %dma_wait3A_150 = tpu.memref_slice %arg4[%mul3A_2, %dma_wait3A_149] : memref<819200x128xf32, #tpu.memory_space<hbm>> -> memref<128x128xf32, #tpu.memory_space<hbm>>
      %dma_wait3A_151 = arith.constant 0 : i32
      %dma_wait3A_152 = tpu.memref_slice %arg4[%mul3A_2, %dma_wait3A_151] : memref<819200x128xf32, #tpu.memory_space<hbm>> -> memref<128x128xf32, #tpu.memory_space<hbm>>
      tpu.wait_dma2 semaphore(%arg16 : memref<!tpu.dma_semaphore, #tpu.memory_space<semaphore_mem>>) src(%arg8 : memref<128x128xf32, #tpu.memory_space<vmem>>) dst(%dma_wait3A_152 : memref<128x128xf32, #tpu.memory_space<hbm>>)
      %add3A_153 = arith.constant 3 : i32
      %add3A_154 = arith.addi %add3A_148, %add3A_153 : i32
      %mul3A_155 = arith.constant 128 : i32
      %mul3A_156 = arith.muli %add3A_154, %mul3A_155 : i32
      %dma_start3A_157 = tpu.memref_slice %arg5[%mul3A_156] : memref<25600xi32, #tpu.memory_space<vmem>> -> memref<128xi32, #tpu.memory_space<vmem>>
      %dma_start3A_158 = arith.constant 0 : i32
      %dma_start3A_159 = arith.constant 0 : i32
      %dma_start3A_160 = tpu.memref_slice %arg2[%dma_start3A_158, %dma_start3A_159] : memref<1000000x128xf32, #tpu.memory_space<hbm>> -> memref<1000000x128xf32, #tpu.memory_space<hbm>>
      tpu.enqueue_indirect_dma source(%dma_start3A_160 : memref<1000000x128xf32, #tpu.memory_space<hbm>>) target(%arg8 : memref<128x128xf32, #tpu.memory_space<vmem>>) offsets(%dma_start3A_157 : memref<128xi32, #tpu.memory_space<vmem>>) semaphore(%arg12 : memref<!tpu.dma_semaphore, #tpu.memory_space<semaphore_mem>>)
      %dma_wait3A_161 = arith.constant 0 : i32
      %dma_wait3A_162 = tpu.memref_slice %arg5[%dma_wait3A_161] : memref<25600xi32, #tpu.memory_space<vmem>> -> memref<128xi32, #tpu.memory_space<vmem>>
      %dma_wait3A_163 = arith.constant 0 : i32
      %dma_wait3A_164 = arith.constant 0 : i32
      %dma_wait3A_165 = tpu.memref_slice %arg2[%dma_wait3A_163, %dma_wait3A_164] : memref<1000000x128xf32, #tpu.memory_space<hbm>> -> memref<1000000x128xf32, #tpu.memory_space<hbm>>
      tpu.wait_indirect_dma semaphore(%arg13 : memref<!tpu.dma_semaphore, #tpu.memory_space<semaphore_mem>>) src(%dma_wait3A_165 : memref<1000000x128xf32, #tpu.memory_space<hbm>>) dst(%arg9 : memref<128x128xf32, #tpu.memory_space<vmem>>)
      %mul3A_166 = arith.constant 128 : i32
      %mul3A_167 = arith.muli %add3A_148, %mul3A_166 : i32
      %add3A_168 = arith.addi %mul3A_2, %mul3A_167 : i32
      %dma_start3A_169 = arith.constant 0 : i32
      %dma_start3A_170 = tpu.memref_slice %arg4[%add3A_168, %dma_start3A_169] : memref<819200x128xf32, #tpu.memory_space<hbm>> -> memref<128x128xf32, #tpu.memory_space<hbm>>
      %dma_start3A_171 = arith.constant 0 : i32
      %dma_start3A_172 = tpu.memref_slice %arg4[%add3A_168, %dma_start3A_171] : memref<819200x128xf32, #tpu.memory_space<hbm>> -> memref<128x128xf32, #tpu.memory_space<hbm>>
      tpu.enqueue_dma source(%arg9 : memref<128x128xf32, #tpu.memory_space<vmem>>) target(%dma_start3A_172 : memref<128x128xf32, #tpu.memory_space<hbm>>) target_semaphore(%arg17 : memref<!tpu.dma_semaphore, #tpu.memory_space<semaphore_mem>>)
      %mul3A_173 = arith.constant 4 : i32
      %mul3A_174 = arith.muli %mul3A_173, %scan3A_87 : i32
      %add3A_175 = arith.constant 4 : i32
      %add3A_176 = arith.addi %mul3A_174, %add3A_175 : i32
      %dma_wait3A_177 = arith.constant 0 : i32
      %dma_wait3A_178 = tpu.memref_slice %arg4[%mul3A_2, %dma_wait3A_177] : memref<819200x128xf32, #tpu.memory_space<hbm>> -> memref<128x128xf32, #tpu.memory_space<hbm>>
      %dma_wait3A_179 = arith.constant 0 : i32
      %dma_wait3A_180 = tpu.memref_slice %arg4[%mul3A_2, %dma_wait3A_179] : memref<819200x128xf32, #tpu.memory_space<hbm>> -> memref<128x128xf32, #tpu.memory_space<hbm>>
      tpu.wait_dma2 semaphore(%arg17 : memref<!tpu.dma_semaphore, #tpu.memory_space<semaphore_mem>>) src(%arg9 : memref<128x128xf32, #tpu.memory_space<vmem>>) dst(%dma_wait3A_180 : memref<128x128xf32, #tpu.memory_space<hbm>>)
      %add3A_181 = arith.constant 3 : i32
      %add3A_182 = arith.addi %add3A_176, %add3A_181 : i32
      %mul3A_183 = arith.constant 128 : i32
      %mul3A_184 = arith.muli %add3A_182, %mul3A_183 : i32
      %dma_start3A_185 = tpu.memref_slice %arg5[%mul3A_184] : memref<25600xi32, #tpu.memory_space<vmem>> -> memref<128xi32, #tpu.memory_space<vmem>>
      %dma_start3A_186 = arith.constant 0 : i32
      %dma_start3A_187 = arith.constant 0 : i32
      %dma_start3A_188 = tpu.memref_slice %arg2[%dma_start3A_186, %dma_start3A_187] : memref<1000000x128xf32, #tpu.memory_space<hbm>> -> memref<1000000x128xf32, #tpu.memory_space<hbm>>
      tpu.enqueue_indirect_dma source(%dma_start3A_188 : memref<1000000x128xf32, #tpu.memory_space<hbm>>) target(%arg9 : memref<128x128xf32, #tpu.memory_space<vmem>>) offsets(%dma_start3A_185 : memref<128xi32, #tpu.memory_space<vmem>>) semaphore(%arg13 : memref<!tpu.dma_semaphore, #tpu.memory_space<semaphore_mem>>)
      %dma_wait3A_189 = arith.constant 0 : i32
      %dma_wait3A_190 = tpu.memref_slice %arg5[%dma_wait3A_189] : memref<25600xi32, #tpu.memory_space<vmem>> -> memref<128xi32, #tpu.memory_space<vmem>>
      %dma_wait3A_191 = arith.constant 0 : i32
      %dma_wait3A_192 = arith.constant 0 : i32
      %dma_wait3A_193 = tpu.memref_slice %arg2[%dma_wait3A_191, %dma_wait3A_192] : memref<1000000x128xf32, #tpu.memory_space<hbm>> -> memref<1000000x128xf32, #tpu.memory_space<hbm>>
      tpu.wait_indirect_dma semaphore(%arg10 : memref<!tpu.dma_semaphore, #tpu.memory_space<semaphore_mem>>) src(%dma_wait3A_193 : memref<1000000x128xf32, #tpu.memory_space<hbm>>) dst(%arg6 : memref<128x128xf32, #tpu.memory_space<vmem>>)
      %mul3A_194 = arith.constant 128 : i32
      %mul3A_195 = arith.muli %add3A_176, %mul3A_194 : i32
      %add3A_196 = arith.addi %mul3A_2, %mul3A_195 : i32
      %dma_start3A_197 = arith.constant 0 : i32
      %dma_start3A_198 = tpu.memref_slice %arg4[%add3A_196, %dma_start3A_197] : memref<819200x128xf32, #tpu.memory_space<hbm>> -> memref<128x128xf32, #tpu.memory_space<hbm>>
      %dma_start3A_199 = arith.constant 0 : i32
      %dma_start3A_200 = tpu.memref_slice %arg4[%add3A_196, %dma_start3A_199] : memref<819200x128xf32, #tpu.memory_space<hbm>> -> memref<128x128xf32, #tpu.memory_space<hbm>>
      tpu.enqueue_dma source(%arg6 : memref<128x128xf32, #tpu.memory_space<vmem>>) target(%dma_start3A_200 : memref<128x128xf32, #tpu.memory_space<hbm>>) target_semaphore(%arg14 : memref<!tpu.dma_semaphore, #tpu.memory_space<semaphore_mem>>)
      %scan3A_201 = arith.constant 0 : i32
      scf.yield %scan3A_201 : i32
    }
    %scan3A_37 = arith.constant 49 : i32
    %dma_wait3A_38 = arith.constant 0 : i32
    %dma_wait3A_39 = tpu.memref_slice %arg5[%dma_wait3A_38] : memref<25600xi32, #tpu.memory_space<vmem>> -> memref<128xi32, #tpu.memory_space<vmem>>
    %dma_wait3A_40 = arith.constant 0 : i32
    %dma_wait3A_41 = arith.constant 0 : i32
    %dma_wait3A_42 = tpu.memref_slice %arg2[%dma_wait3A_40, %dma_wait3A_41] : memref<1000000x128xf32, #tpu.memory_space<hbm>> -> memref<1000000x128xf32, #tpu.memory_space<hbm>>
    tpu.wait_indirect_dma semaphore(%arg11 : memref<!tpu.dma_semaphore, #tpu.memory_space<semaphore_mem>>) src(%dma_wait3A_42 : memref<1000000x128xf32, #tpu.memory_space<hbm>>) dst(%arg7 : memref<128x128xf32, #tpu.memory_space<vmem>>)
    %add3A_43 = arith.constant 25216 : i32
    %add3A_44 = arith.addi %mul3A_2, %add3A_43 : i32
    %dma_start3A_45 = arith.constant 0 : i32
    %dma_start3A_46 = tpu.memref_slice %arg4[%add3A_44, %dma_start3A_45] : memref<819200x128xf32, #tpu.memory_space<hbm>> -> memref<128x128xf32, #tpu.memory_space<hbm>>
    %dma_start3A_47 = arith.constant 0 : i32
    %dma_start3A_48 = tpu.memref_slice %arg4[%add3A_44, %dma_start3A_47] : memref<819200x128xf32, #tpu.memory_space<hbm>> -> memref<128x128xf32, #tpu.memory_space<hbm>>
    tpu.enqueue_dma source(%arg7 : memref<128x128xf32, #tpu.memory_space<vmem>>) target(%dma_start3A_48 : memref<128x128xf32, #tpu.memory_space<hbm>>) target_semaphore(%arg15 : memref<!tpu.dma_semaphore, #tpu.memory_space<semaphore_mem>>)
    %dma_wait3A_49 = arith.constant 0 : i32
    %dma_wait3A_50 = tpu.memref_slice %arg5[%dma_wait3A_49] : memref<25600xi32, #tpu.memory_space<vmem>> -> memref<128xi32, #tpu.memory_space<vmem>>
    %dma_wait3A_51 = arith.constant 0 : i32
    %dma_wait3A_52 = arith.constant 0 : i32
    %dma_wait3A_53 = tpu.memref_slice %arg2[%dma_wait3A_51, %dma_wait3A_52] : memref<1000000x128xf32, #tpu.memory_space<hbm>> -> memref<1000000x128xf32, #tpu.memory_space<hbm>>
    tpu.wait_indirect_dma semaphore(%arg12 : memref<!tpu.dma_semaphore, #tpu.memory_space<semaphore_mem>>) src(%dma_wait3A_53 : memref<1000000x128xf32, #tpu.memory_space<hbm>>) dst(%arg8 : memref<128x128xf32, #tpu.memory_space<vmem>>)
    %add3A_54 = arith.constant 25344 : i32
    %add3A_55 = arith.addi %mul3A_2, %add3A_54 : i32
    %dma_start3A_56 = arith.constant 0 : i32
    %dma_start3A_57 = tpu.memref_slice %arg4[%add3A_55, %dma_start3A_56] : memref<819200x128xf32, #tpu.memory_space<hbm>> -> memref<128x128xf32, #tpu.memory_space<hbm>>
    %dma_start3A_58 = arith.constant 0 : i32
    %dma_start3A_59 = tpu.memref_slice %arg4[%add3A_55, %dma_start3A_58] : memref<819200x128xf32, #tpu.memory_space<hbm>> -> memref<128x128xf32, #tpu.memory_space<hbm>>
    tpu.enqueue_dma source(%arg8 : memref<128x128xf32, #tpu.memory_space<vmem>>) target(%dma_start3A_59 : memref<128x128xf32, #tpu.memory_space<hbm>>) target_semaphore(%arg16 : memref<!tpu.dma_semaphore, #tpu.memory_space<semaphore_mem>>)
    %dma_wait3A_60 = arith.constant 0 : i32
    %dma_wait3A_61 = tpu.memref_slice %arg5[%dma_wait3A_60] : memref<25600xi32, #tpu.memory_space<vmem>> -> memref<128xi32, #tpu.memory_space<vmem>>
    %dma_wait3A_62 = arith.constant 0 : i32
    %dma_wait3A_63 = arith.constant 0 : i32
    %dma_wait3A_64 = tpu.memref_slice %arg2[%dma_wait3A_62, %dma_wait3A_63] : memref<1000000x128xf32, #tpu.memory_space<hbm>> -> memref<1000000x128xf32, #tpu.memory_space<hbm>>
    tpu.wait_indirect_dma semaphore(%arg13 : memref<!tpu.dma_semaphore, #tpu.memory_space<semaphore_mem>>) src(%dma_wait3A_64 : memref<1000000x128xf32, #tpu.memory_space<hbm>>) dst(%arg9 : memref<128x128xf32, #tpu.memory_space<vmem>>)
    %add3A_65 = arith.constant 25472 : i32
    %add3A_66 = arith.addi %mul3A_2, %add3A_65 : i32
    %dma_start3A_67 = arith.constant 0 : i32
    %dma_start3A_68 = tpu.memref_slice %arg4[%add3A_66, %dma_start3A_67] : memref<819200x128xf32, #tpu.memory_space<hbm>> -> memref<128x128xf32, #tpu.memory_space<hbm>>
    %dma_start3A_69 = arith.constant 0 : i32
    %dma_start3A_70 = tpu.memref_slice %arg4[%add3A_66, %dma_start3A_69] : memref<819200x128xf32, #tpu.memory_space<hbm>> -> memref<128x128xf32, #tpu.memory_space<hbm>>
    tpu.enqueue_dma source(%arg9 : memref<128x128xf32, #tpu.memory_space<vmem>>) target(%dma_start3A_70 : memref<128x128xf32, #tpu.memory_space<hbm>>) target_semaphore(%arg17 : memref<!tpu.dma_semaphore, #tpu.memory_space<semaphore_mem>>)
    %dma_wait3A_71 = arith.constant 0 : i32
    %dma_wait3A_72 = tpu.memref_slice %arg4[%mul3A_2, %dma_wait3A_71] : memref<819200x128xf32, #tpu.memory_space<hbm>> -> memref<128x128xf32, #tpu.memory_space<hbm>>
    %dma_wait3A_73 = arith.constant 0 : i32
    %dma_wait3A_74 = tpu.memref_slice %arg4[%mul3A_2, %dma_wait3A_73] : memref<819200x128xf32, #tpu.memory_space<hbm>> -> memref<128x128xf32, #tpu.memory_space<hbm>>
    tpu.wait_dma2 semaphore(%arg14 : memref<!tpu.dma_semaphore, #tpu.memory_space<semaphore_mem>>) src(%arg6 : memref<128x128xf32, #tpu.memory_space<vmem>>) dst(%dma_wait3A_74 : memref<128x128xf32, #tpu.memory_space<hbm>>)
    %dma_wait3A_75 = arith.constant 0 : i32
    %dma_wait3A_76 = tpu.memref_slice %arg4[%mul3A_2, %dma_wait3A_75] : memref<819200x128xf32, #tpu.memory_space<hbm>> -> memref<128x128xf32, #tpu.memory_space<hbm>>
    %dma_wait3A_77 = arith.constant 0 : i32
    %dma_wait3A_78 = tpu.memref_slice %arg4[%mul3A_2, %dma_wait3A_77] : memref<819200x128xf32, #tpu.memory_space<hbm>> -> memref<128x128xf32, #tpu.memory_space<hbm>>
    tpu.wait_dma2 semaphore(%arg15 : memref<!tpu.dma_semaphore, #tpu.memory_space<semaphore_mem>>) src(%arg7 : memref<128x128xf32, #tpu.memory_space<vmem>>) dst(%dma_wait3A_78 : memref<128x128xf32, #tpu.memory_space<hbm>>)
    %dma_wait3A_79 = arith.constant 0 : i32
    %dma_wait3A_80 = tpu.memref_slice %arg4[%mul3A_2, %dma_wait3A_79] : memref<819200x128xf32, #tpu.memory_space<hbm>> -> memref<128x128xf32, #tpu.memory_space<hbm>>
    %dma_wait3A_81 = arith.constant 0 : i32
    %dma_wait3A_82 = tpu.memref_slice %arg4[%mul3A_2, %dma_wait3A_81] : memref<819200x128xf32, #tpu.memory_space<hbm>> -> memref<128x128xf32, #tpu.memory_space<hbm>>
    tpu.wait_dma2 semaphore(%arg16 : memref<!tpu.dma_semaphore, #tpu.memory_space<semaphore_mem>>) src(%arg8 : memref<128x128xf32, #tpu.memory_space<vmem>>) dst(%dma_wait3A_82 : memref<128x128xf32, #tpu.memory_space<hbm>>)
    %dma_wait3A_83 = arith.constant 0 : i32
    %dma_wait3A_84 = tpu.memref_slice %arg4[%mul3A_2, %dma_wait3A_83] : memref<819200x128xf32, #tpu.memory_space<hbm>> -> memref<128x128xf32, #tpu.memory_space<hbm>>
    %dma_wait3A_85 = arith.constant 0 : i32
    %dma_wait3A_86 = tpu.memref_slice %arg4[%mul3A_2, %dma_wait3A_85] : memref<819200x128xf32, #tpu.memory_space<hbm>> -> memref<128x128xf32, #tpu.memory_space<hbm>>
    tpu.wait_dma2 semaphore(%arg17 : memref<!tpu.dma_semaphore, #tpu.memory_space<semaphore_mem>>) src(%arg9 : memref<128x128xf32, #tpu.memory_space<vmem>>) dst(%dma_wait3A_86 : memref<128x128xf32, #tpu.memory_space<hbm>>)
    return
  }
}

module attributes {stable_mosaic.version = 14 : i64} {
  func.func @_preproject_body(%arg0: i32, %arg1: memref<10000x128xf32, #tpu.memory_space<vmem>>, %arg2: memref<10000x32xf32, #tpu.memory_space<vmem>>, %arg3: memref<10000x8xf32, #tpu.memory_space<vmem>>, %arg4: memref<128x128xf32, #tpu.memory_space<vmem>>, %arg5: memref<128x32xf32, #tpu.memory_space<vmem>>, %arg6: memref<128x8xf32, #tpu.memory_space<vmem>>, %arg7: memref<10000x128xf32, #tpu.memory_space<vmem>>) attributes {dimension_semantics = [#tpu.dimension_semantics<arbitrary>], iteration_bounds = array<i64: 100>, scalar_prefetch = 0 : i64, scratch_operands = 0 : i64, tpu.core_type = #tpu.core_type<tc>, window_params = [{transform_indices = @transform_0, window_bounds = array<i64: 10000, 128>}, {transform_indices = @transform_1, window_bounds = array<i64: 10000, 32>}, {transform_indices = @transform_2, window_bounds = array<i64: 10000, 8>}, {pipeline_mode = #tpu.pipeline_mode<synchronous>, transform_indices = @transform_3, window_bounds = array<i64: 128, 128>}, {pipeline_mode = #tpu.pipeline_mode<synchronous>, transform_indices = @transform_4, window_bounds = array<i64: 128, 32>}, {pipeline_mode = #tpu.pipeline_mode<synchronous>, transform_indices = @transform_5, window_bounds = array<i64: 128, 8>}, {transform_indices = @transform_6, window_bounds = array<i64: 10000, 128>}]} {
    %lt3A = arith.constant 2 : i32
    %lt3A_0 = arith.cmpi slt, %arg0, %lt3A : i32
    %convert_element_type3A = arith.extui %lt3A_0 : i1 to i32
    %cond3A = arith.constant 0 : i32
    %cond3A_1 = arith.cmpi ne, %convert_element_type3A, %cond3A : i32
    scf.if %cond3A_1 {
      %get3A = arith.constant 0 : index
      %get3A_13 = arith.constant 0 : index
      %get3A_14 = vector.load %arg1[%get3A, %get3A_13] : memref<10000x128xf32, #tpu.memory_space<vmem>>, vector<10000x128xf32>
      %get3A_15 = arith.constant 0 : index
      %get3A_16 = arith.constant 0 : index
      %get3A_17 = vector.load %arg4[%get3A_15, %get3A_16] : memref<128x128xf32, #tpu.memory_space<vmem>>, vector<128x128xf32>
      %mul3A = arith.constant 11.3137083 : f32
      %mul3A_18 = vector.broadcast %mul3A : f32 to vector<128x128xf32>
      %mul3A_19 = arith.mulf %get3A_17, %mul3A_18 : vector<128x128xf32>
      %dot_general3A = arith.constant dense<0.000000e+00> : vector<10000x128xf32>
      %dot_general3A_20 = tpu.matmul %get3A_14, %mul3A_19, %dot_general3A {dimension_numbers = #tpu.dot_dimension_numbers<[1], [1], [0], [0], [0, 0, 1, 0], [], []>, transpose_lhs_hint = false} : vector<10000x128xf32>, vector<128x128xf32>, vector<10000x128xf32> -> vector<10000x128xf32>
      %swap3A = arith.constant 0 : index
      %swap3A_21 = arith.constant 0 : index
      %swap3A_22 = vector.load %arg7[%swap3A, %swap3A_21] : memref<10000x128xf32, #tpu.memory_space<vmem>>, vector<10000x128xf32>
      tpu.vector_store %arg7[%swap3A, %swap3A_21], %dot_general3A_20 {strides = array<i32>} : memref<10000x128xf32, #tpu.memory_space<vmem>>, vector<10000x128xf32>,
    } else {
    }
    %ge3A = arith.constant 2 : i32
    %ge3A_2 = arith.cmpi sge, %arg0, %ge3A : i32
    %lt3A_3 = arith.constant 10 : i32
    %lt3A_4 = arith.cmpi slt, %arg0, %lt3A_3 : i32
    %and3A = arith.andi %ge3A_2, %lt3A_4 : i1
    %convert_element_type3A_5 = arith.extui %and3A : i1 to i32
    %cond3A_6 = arith.constant 0 : i32
    %cond3A_7 = arith.cmpi ne, %convert_element_type3A_5, %cond3A_6 : i32
    scf.if %cond3A_7 {
      %get3A = arith.constant 0 : index
      %get3A_13 = arith.constant 0 : index
      %get3A_14 = vector.load %arg2[%get3A, %get3A_13] : memref<10000x32xf32, #tpu.memory_space<vmem>>, vector<10000x32xf32>
      %get3A_15 = arith.constant 0 : index
      %get3A_16 = arith.constant 0 : index
      %get3A_17 = vector.load %arg5[%get3A_15, %get3A_16] : memref<128x32xf32, #tpu.memory_space<vmem>>, vector<128x32xf32>
      %mul3A = arith.constant 11.3137083 : f32
      %mul3A_18 = vector.broadcast %mul3A : f32 to vector<128x32xf32>
      %mul3A_19 = arith.mulf %get3A_17, %mul3A_18 : vector<128x32xf32>
      %dot_general3A = arith.constant dense<0.000000e+00> : vector<10000x128xf32>
      %dot_general3A_20 = tpu.matmul %get3A_14, %mul3A_19, %dot_general3A {dimension_numbers = #tpu.dot_dimension_numbers<[1], [1], [0], [0], [0, 0, 1, 0], [], []>, transpose_lhs_hint = false} : vector<10000x32xf32>, vector<128x32xf32>, vector<10000x128xf32> -> vector<10000x128xf32>
      %swap3A = arith.constant 0 : index
      %swap3A_21 = arith.constant 0 : index
      %swap3A_22 = vector.load %arg7[%swap3A, %swap3A_21] : memref<10000x128xf32, #tpu.memory_space<vmem>>, vector<10000x128xf32>
      tpu.vector_store %arg7[%swap3A, %swap3A_21], %dot_general3A_20 {strides = array<i32>} : memref<10000x128xf32, #tpu.memory_space<vmem>>, vector<10000x128xf32>,
    } else {
    }
    %ge3A_8 = arith.constant 10 : i32
    %ge3A_9 = arith.cmpi sge, %arg0, %ge3A_8 : i32
    %convert_element_type3A_10 = arith.extui %ge3A_9 : i1 to i32
    %cond3A_11 = arith.constant 0 : i32
    %cond3A_12 = arith.cmpi ne, %convert_element_type3A_10, %cond3A_11 : i32
    scf.if %cond3A_12 {
      %get3A = arith.constant 0 : index
      %get3A_13 = arith.constant 0 : index
      %get3A_14 = vector.load %arg3[%get3A, %get3A_13] : memref<10000x8xf32, #tpu.memory_space<vmem>>, vector<10000x8xf32>
      %get3A_15 = arith.constant 0 : index
      %get3A_16 = arith.constant 0 : index
      %get3A_17 = vector.load %arg6[%get3A_15, %get3A_16] : memref<128x8xf32, #tpu.memory_space<vmem>>, vector<128x8xf32>
      %mul3A = arith.constant 11.3137083 : f32
      %mul3A_18 = vector.broadcast %mul3A : f32 to vector<128x8xf32>
      %mul3A_19 = arith.mulf %get3A_17, %mul3A_18 : vector<128x8xf32>
      %dot_general3A = arith.constant dense<0.000000e+00> : vector<10000x128xf32>
      %dot_general3A_20 = tpu.matmul %get3A_14, %mul3A_19, %dot_general3A {dimension_numbers = #tpu.dot_dimension_numbers<[1], [1], [0], [0], [0, 0, 1, 0], [], []>, transpose_lhs_hint = false} : vector<10000x8xf32>, vector<128x8xf32>, vector<10000x128xf32> -> vector<10000x128xf32>
      %swap3A = arith.constant 0 : index
      %swap3A_21 = arith.constant 0 : index
      %swap3A_22 = vector.load %arg7[%swap3A, %swap3A_21] : memref<10000x128xf32, #tpu.memory_space<vmem>>, vector<10000x128xf32>
      tpu.vector_store %arg7[%swap3A, %swap3A_21], %dot_general3A_20 {strides = array<i32>} : memref<10000x128xf32, #tpu.memory_space<vmem>>, vector<10000x128xf32>,
    } else {
    }
    return
  }
  func.func @transform_0(%arg0: i32) -> (i32, i32) {
    %min3A = arith.constant 1 : i32
    %min3A_0 = arith.minsi %arg0, %min3A : i32
    %c0_i32 = arith.constant 0 : i32
    %c0_i32_1 = arith.constant 0 : i32
    return %min3A_0, %c0_i32 : i32, i32
  }
  func.func @transform_1(%arg0: i32) -> (i32, i32) {
    %sub3A = arith.constant 2 : i32
    %sub3A_0 = arith.subi %arg0, %sub3A : i32
    %jit3A = arith.constant 0 : i32
    %jit3A_1 = arith.constant 7 : i32
    %max3A = arith.maxsi %jit3A, %sub3A_0 : i32
    %min3A = arith.minsi %jit3A_1, %max3A : i32
    %c0_i32 = arith.constant 0 : i32
    %c0_i32_2 = arith.constant 0 : i32
    return %min3A, %c0_i32 : i32, i32
  }
  func.func @transform_2(%arg0: i32) -> (i32, i32) {
    %sub3A = arith.constant 10 : i32
    %sub3A_0 = arith.subi %arg0, %sub3A : i32
    %jit3A = arith.constant 0 : i32
    %jit3A_1 = arith.constant 89 : i32
    %max3A = arith.maxsi %jit3A, %sub3A_0 : i32
    %min3A = arith.minsi %jit3A_1, %max3A : i32
    %c0_i32 = arith.constant 0 : i32
    %c0_i32_2 = arith.constant 0 : i32
    return %min3A, %c0_i32 : i32, i32
  }
  func.func @transform_3(%arg0: i32) -> (i32, i32) {
    %c0_i32 = arith.constant 0 : i32
    %c0_i32_0 = arith.constant 0 : i32
    %c0_i32_1 = arith.constant 0 : i32
    return %c0_i32, %c0_i32_0 : i32, i32
  }
  func.func @transform_4(%arg0: i32) -> (i32, i32) {
    %c0_i32 = arith.constant 0 : i32
    %c0_i32_0 = arith.constant 0 : i32
    %c0_i32_1 = arith.constant 0 : i32
    return %c0_i32, %c0_i32_0 : i32, i32
  }
  func.func @transform_5(%arg0: i32) -> (i32, i32) {
    %c0_i32 = arith.constant 0 : i32
    %c0_i32_0 = arith.constant 0 : i32
    %c0_i32_1 = arith.constant 0 : i32
    return %c0_i32, %c0_i32_0 : i32, i32
  }
  func.func @transform_6(%arg0: i32) -> (i32, i32) {
    %c0_i32 = arith.constant 0 : i32
    %c0_i32_0 = arith.constant 0 : i32
    return %arg0, %c0_i32 : i32, i32
  }
}

</mosaic_0001>

<sc_bundles>
// kernel: kernel.4.cloned.1.call-start
scs
__scs_entry_jumppad:
0x0: {  	(pc) =	sbr.rel $0x88, $3  }
0x1: {  	(tag) =	ssettag $0x0;
	lr =	simm.s32 $0x1  }
0x2: {  	[smem:$0x3F9A] =	sst lr;
	_ =	strace $0xD0000000  }
0x3: {  	_ = 	snop  }
0x4: {  	_ = 	snop  }
0x5: {  	_ = 	snop  }
0x6: {  	_ = 	snop  }
0x7: {  	_ = 	snop  }
__scs_overlays_trampoline_lowered:
0x8: {  	[smem:$0x3FA9] =	sst s0  }
0x9: {  	[smem:$0x3FAA] =	sst s1  }
0xa: {  	[smem:$0x3FAB] =	sst s2  }
0xb: {  	[smem:$0x3FAC] =	sst s3  }
0xc: {  	[smem:$0x3FAD] =	sst s4  }
0xd: {  	[smem:$0x3FAE] =	sst s5  }
0xe: {  	[smem:$0x3FAF] =	sst s6  }
0xf: {  	[smem:$0x3FB0] =	sst s7  }
0x10: {  	[smem:$0x3FB1] =	sst s8  }
0x11: {  	[smem:$0x3FB2] =	sst s9;
	s0 =	simm.s32 @!p0 $0x0  }
0x12: {  	s1 =	sld [smem:$0x3F98];
	s0 =	simm.s32 @p0 $0x1  }
0x13: {  	[smem:$0x3FB3] =	sst s0;
	s0 =	simm.s32 @!p1 $0x0  }
0x14: {  	s2 =	sld [smem:$0x3F97];
	s0 =	simm.s32 @p1 $0x1  }
0x15: {  	[smem:$0x3FB4] =	sst s0;
	s0 =	simm.s32 @!p2 $0x0  }
0x16: {  	s3 =	sld [smem:$0x3FDB];
	s0 =	simm.s32 @p2 $0x1  }
0x17: {  	s4 =	simm.s32 $0x1BF5;
	[smem:$0x3FB6] =	sst s0  }
0x18: {  	s0 =	sld [smem:$0x3F99];
	_ =	swait.ge [sflag:s4], $0x0  }
0x19: {  	s7 =	sld [smem:$0x3F9A]  }
0x1a: {  	s8 =	sadd.s32 $0xFFFFE003, lr  }
0x1b: {  	s9 =	sadd.s32 $0xFFFFFEF7, lr;
	s5 =	simm.s32 $0xFFFFFFFF;
	p2 =	slt.u32 s8, $0xFFFFF086  }
0x1c: {  	p1 =	slt.u32 s9, $0xF7A;
	s5 =	simm.s32 @!p2 $0x0  }
0x1d: {  	s5 =	simm.s32 @p1 $0x1;
	p0 =	seq.s32 s7, s2  }
0x1e: {  	s7 =	smul.u32 @!p0 $0xF7A, s2;
	p2 =	seq.s32 @!p0 s5, $0x0  }
0x1f: {  	s9 =	smul.u32 $0xF7A, s1;
	s8 =	simm.s32 @!p0 $0x1BF5;
	p2 =	por !p2, p0  }
0x20: {  	[sflag:s8] =	ssyncset.s32 @!p0 $0xFFFFF086;
	s6 =	sadd.s32 @!p0 s3, s7;
	s7 =	simm.s32 @!p0 $0x108  }
0x21: {  	s3 =	sadd.s32 s3, s9;
	s6 =	sadd.s32 @!p0 $0x88, s6;
	s7 =	simm.s32 @p2 $0x1082  }
0x22: {  	[simem:s7], [sflag:s8] =	dma.local @!p0 [hbm:s6], $0xF7A  }
0x23: {  	s9 =	sor.u32 $0xD0000000, s2;
	s6 =	simm.s32 $0x108;
	_ =	swait.ge @!p0 [sflag:s8], $0x0  }
0x24: {  	s3 =	sadd.s32 $0x88, s3;
	s6 =	simm.s32 @!p1 $0x1082;
	[sflag:s4] =	ssyncset.s32 $0xFFFFF086  }
0x25: {  	[simem:s6], [sflag:s4] =	dma.local [hbm:s3], $0xF7A  }
0x26: {  	[smem:$0x3F9A] =	sst s1;
	(tag) =	ssettag s2;
	_ =	strace s9  }
0x27: {  	s1 =	sld [smem:$0x3FAA]  }
0x28: {  	s2 =	sld [smem:$0x3FAB]  }
0x29: {  	s4 =	sld [smem:$0x3FAD]  }
0x2a: {  	p0 =	seq.s32 s5, $0x0;
	s5 =	sld [smem:$0x3FAE]  }
0x2b: {  	s6 =	sld [smem:$0x3FAF]  }
0x2c: {  	s7 =	sld [smem:$0x3FB0]  }
0x2d: {  	s3 =	simm.s32 $0x108;
	s8 =	sld [smem:$0x3FB1]  }
0x2e: {  	s3 =	simm.s32 @!p0 $0x1082;
	s9 =	sld [smem:$0x3FB2]  }
0x2f: {  	lr =	sadd.s32 s0, s3;
	s0 =	sld [smem:$0x3FA9]  }
0x30: {  	s3 =	sld [smem:$0x3FAC]  }
0x31: {  	[smem:$0x3FB5] =	sst s10  }
0x32: {  	s10 =	sld [smem:$0x3FB3];
	_ =	sdelay $0x3  }
0x33: {  	p0 =	seq.s32 s10, $0x1;
	s10 =	sld [smem:$0x3FB5];
	_ =	sdelay $0x3  }
0x34: {  	[smem:$0x3FB5] =	sst s10  }
0x35: {  	s10 =	sld [smem:$0x3FB4];
	_ =	sdelay $0x3  }
0x36: {  	p1 =	seq.s32 s10, $0x1;
	s10 =	sld [smem:$0x3FB5];
	_ =	sdelay $0x3  }
0x37: {  	[smem:$0x3FB5] =	sst s10  }
0x38: {  	s10 =	sld [smem:$0x3FB6]  }
0x39: {  	_ = 	snop;
	(pc) =	sbr.ind lr, $3  }
0x3a: {  	_ = 	snop  }
0x3b: {  	_ = 	snop  }
0x3c: {  	p2 =	seq.s32 s10, $0x1;
	s10 =	sld [smem:$0x3FB5]  }
0x3d: {  	_ =	shalt  }
0x3e: {  	_ =	shalt  }
0x3f: {  	_ =	shalt  }
0x40: {  	_ =	shalt  }
0x41: {  	_ =	shalt  }
0x42: {  	_ =	shalt  }
0x43: {  	_ =	shalt  }
0x44: {  	_ =	shalt  }
0x45: {  	_ =	shalt  }
0x46: {  	_ =	shalt  }
0x47: {  	_ =	shalt  }
0x48: {  	_ =	shalt  }
0x49: {  	_ =	shalt  }
0x4a: {  	_ =	shalt  }
0x4b: {  	_ =	shalt  }
0x4c: {  	_ =	shalt  }
0x4d: {  	_ =	shalt  }
0x4e: {  	_ =	shalt  }
0x4f: {  	_ =	shalt  }
0x50: {  	_ =	shalt  }
0x51: {  	_ =	shalt  }
0x52: {  	_ =	shalt  }
0x53: {  	_ =	shalt  }
0x54: {  	_ =	shalt  }
0x55: {  	_ =	shalt  }
0x56: {  	_ =	shalt  }
0x57: {  	_ =	shalt  }
0x58: {  	_ =	shalt  }
0x59: {  	_ =	shalt  }
0x5a: {  	_ =	shalt  }
0x5b: {  	_ =	shalt  }
0x5c: {  	_ =	shalt  }
0x5d: {  	_ =	shalt  }
0x5e: {  	_ =	shalt  }
0x5f: {  	_ =	shalt  }
0x60: {  	_ =	shalt  }
0x61: {  	_ =	shalt  }
0x62: {  	_ =	shalt  }
0x63: {  	_ =	shalt  }
0x64: {  	_ =	shalt  }
0x65: {  	_ =	shalt  }
0x66: {  	_ =	shalt  }
0x67: {  	_ =	shalt  }
0x68: {  	_ =	shalt  }
0x69: {  	_ =	shalt  }
0x6a: {  	_ =	shalt  }
0x6b: {  	_ =	shalt  }
0x6c: {  	_ =	shalt  }
0x6d: {  	_ =	shalt  }
0x6e: {  	_ =	shalt  }
0x6f: {  	_ =	shalt  }
0x70: {  	_ =	shalt  }
0x71: {  	_ =	shalt  }
0x72: {  	_ =	shalt  }
0x73: {  	_ =	shalt  }
0x74: {  	_ =	shalt  }
0x75: {  	_ =	shalt  }
0x76: {  	_ =	shalt  }
0x77: {  	_ =	shalt  }
0x78: {  	_ =	shalt  }
0x79: {  	_ =	shalt  }
0x7a: {  	_ =	shalt  }
0x7b: {  	_ =	shalt  }
0x7c: {  	_ =	shalt  }
0x7d: {  	_ =	shalt  }
0x7e: {  	_ =	shalt  }
0x7f: {  	_ =	shalt  }
0x80: {  	_ =	shalt  }
0x81: {  	_ =	shalt  }
0x82: {  	_ =	shalt  }
0x83: {  	_ =	shalt  }
0x84: {  	_ =	shalt  }
0x85: {  	_ =	shalt  }
0x86: {  	_ =	shalt  }
0x87: {  	_ =	shalt  }
.Lfunc_end0:
.L_simem_size_0:
called_computation_lowered:
.L_overlay_start_0:
0x88: {  	s2 =	sld [smem:$0x3FD9]  }
0x89: {  	s3 =	sld [smem:$0x3FFE];
	_ =	sdelay $0x1  }
0x8a: {  	s1 =	srdreg.scid  }
0x8b: {  	s0 =	sand.u32 $0x1, s1  }
0x8c: {  	s17 =	sshll.u32 s0, $0xA;
	s2 =	sadd.s32 s3, s2  }
0x8d: {  	s2 =	sadd.s32 s2, s17  }
0x8e: {  	[smem:$0x3FC1] =	sst s2  }
0x8f: {  	_ = 	snop  }
0x90: {  	s2 =	sld [smem:$0x3FD0];
	(tm) =	ssettm $0x1  }
0x91: {  	s18 =	sld [smem:$0x3FFB];
	_ =	sdelay $0x3  }
0x92: {  	_ =	strace s18  }
0x93: {  	s3 =	sld [smem:$0x3FFC];
	_ =	sdelay $0x3  }
0x94: {  	_ =	strace s3  }
0x95: {  	s3 =	sld [smem:$0x3FFD];
	_ =	sdelay $0x3  }
0x96: {  	_ =	strace s3  }
0x97: {  	_ =	strace $0x8FFFFFFF  }
0x98: {  	s19 =	sld [smem:$0x3FDB];
	_ =	sdelay $0x1  }
0x99: {  	s4 =	simm.s32 $_scs_section_size  }
0x9a: {  	s5 =	simm.s32 $_size__tile_overlayer_lowered;
	s6 =	simm.s32 $_tile_overlayer_lowered  }
0x9b: {  	s22 =	simm.s32 $0x1BFF;
	s21 =	sshll.u32 s6, $0x1;
	s3 =	sadd.s32 s4, s19  }
0x9c: {  	s7 =	simm.s32 $0x0;
	s20 =	sshll.u32 s5, $0x1;
	s5 =	sadd.s32 s21, s3  }
0x9d: {  	[timem:s7], [sflag:s22] =	dma.local [hbm:s5], s20  }
0x9e: {  	_ =	swait.ge [sflag:s22], s20  }
0x9f: {  	s4 =	ssub.s32 $0x0, s20;
	[sflag:s22] =	ssyncset.done $0x0  }
0xa0: {  	[sflag:s22] =	ssyncadd.s32 s4;
	_ =	sdelay $0x1  }
0xa1: {  	s23 =	simm.s32 $0x1B8B  }
0xa2: {  	_ =	swait.ge [sflag:s23], $0x1  }
0xa3: {  	[sflag:s23] =	ssyncset.done $0x0  }
0xa4: {  	s25 =	simm.s32 $0x1B8E;
	s24 =	sld [smem:$0x3FFE];
	[sflag:s23] =	ssyncadd.s32 $0xFFFFFFFF  }
0xa5: {  	s26 =	simm.s32 $execute0_lowered;
	[smem:$0x3FD2] =	sst s25  }
0xa6: {  	s5 =	sshll.u32 s26, $0x1;
	_ =	strace $0x80000046;
	[dreg:$0x1] =	wrdreg $0xFFFFFFFF  }
0xa7: {  	s28 =	simm.s32 $_size_execute0_lowered;
	s3 =	sadd.s32 s3, s5;
	[dreg:$0x0] =	wrdreg $0x0  }
0xa8: {  	s5 =	sshll.u32 s28, $0x1;
	[dreg:$0x2] =	wrdreg s3  }
0xa9: {  	[dreg:$0x3] =	wrdreg s5  }
0xaa: {  	[dreg:$0x4] =	wrdreg $0xC0  }
0xab: {  	_ =	task [dreg:s7], $0x5FFFF  }
0xac: {  	[dreg:$0x1] =	wrdreg $0xFFFFFFFF  }
0xad: {  	[dreg:$0x0] =	wrdreg $0x60  }
0xae: {  	[dreg:$0x2] =	wrdreg s24  }
0xaf: {  	[dreg:$0x3] =	wrdreg s2  }
0xb0: {  	[dreg:$0x4] =	wrdreg $0x9  }
0xb1: {  	_ =	task.clear_ibuf [dreg:s7], $0x5FFFF;
	_ =	strace $0x90000046  }
0xb2: {  	s29 =	simm.s32 $0x9;
	_ =	strace $0x80000048  }
0xb3: {  	_ =	swait.ge [sflag:s29], $0x1  }
0xb4: {  	[sflag:s29] =	ssyncadd.s32 $0xFFFFFFFF  }
0xb5: {  	_ =	strace $0x90000048  }
0xb6: {  	_ =	sfence  }
0xb7: {  	s30 =	sld [smem:$0x0];
	_ =	sdelay $0x2  }
0xb8: {  	s31 =	sshll.u32 s1, $0xD;
	s1 =	sshrl.u32 s1, $0x2  }
0xb9: {  	s3 =	sand.u32 $0x4000, s31;
	s1 =	sadd.s32 s1, s30  }
0xba: {  	s0 =	sor.u32 s3, s0;
	s1 =	sshll.u32 s1, $0x11  }
0xbb: {  	s0 =	sor.u32 s1, s0  }
0xbc: {  	s0 =	sadd.s32 $0x8F2B, s0  }
0xbd: {  	[sflag:s0] =	ssyncadd.remote.s32 $0x1  }
0xbe: {  	_ =	sfence.sel $0xFFFF  }
0xbf: {  	[dreg:$0x0] =	wrdreg $0xFFFFFFFF;
	(pc) =	sbr.abs _section_cstart, $3  }
0xc0: {  	[dreg:$0x1] =	wrdreg $0xFFFFFFFF  }
0xc1: {  	_ =	task.clear_ibuf [dreg:s7], $0x2FFFF;
	_ =	strace $0x9FFFFFFF  }
0xc2: {  	(tm) =	ssettm $0x7FFFFFFF  }
0xc3: {  	_ =	shalt  }
tec
execute0_lowered:
.L_overlay_start_1:
0x0: {  	(tag) =	ssettag $0x1  }
0x1: {  	s4 =	rddreg [dreg:$0x0];
	s1 =	srdreg.scid  }
0x2: {  	s0 =	stileid.u32;
	s8 =	rddreg [dreg:$0x1]  }
0x3: {  	s2 =	simm.s32 $0x0;
	s13 =	simm.s32 $0x6400;
	s14 =	simm.s32 $0xA400  }
0x4: {  	s15 =	simm.s32 $0x100;
	s16 =	simm.s32 $0xE400;
	s17 =	simm.s32 $0x180  }
0x5: {  	s18 =	simm.s32 $0x12400;
	s19 =	simm.s32 $0x1;
	s20 =	simm.s32 $0x5  }
0x6: {  	s21 =	simm.s32 $0x2;
	s22 =	simm.s32 $0x6;
	s23 =	simm.s32 $0x3  }
0x7: {  	s24 =	simm.s32 $0x7;
	s25 =	simm.s32 $0x4;
	s26 =	simm.s32 $0x8  }
0x8: {  	s6 =	sand.u32 $0x1, s1;
	s3 =	sshll.u32 s0, $0x1;
	s31 =	smul.u32 $0xC8000, s0  }
0x9: {  	s28 =	simm.s32 $0x0;
	s5 =	sor.u32 s6, s3;
	s12 =	smul.u32 $0x64000, s6  }
0xa: {  	[smem:$0x7FF] =	sst s2;
	s9 =	ssub.s32 $0x2, s6;
	s7 =	smul.u32 $0x6400, s5  }
0xb: {  	_ =	strace $0x80000047;
	s10 =	sshrl.u32 s9, $0x1;
	s11 =	smul.u32 $0x320000, s5  }
0xc: {  	s3 =	sadd.s32 $0xDD5A00, s4;
	s5 =	smul.u32 $0x64000, s5;
	s9 =	ssub.s32 s9, s10  }
0xd: {  	s10 =	sadd.s32 s31, s8;
	s7 =	sshrl.u32 s7, $0x3;
	s30 =	sshrl.u32 s11, $0x3  }
0xe: {  	s5 =	sadd.s32 s8, s5;
	s9 =	smax.u32 s9, $0x1;
	s10 =	sadd.s32 s12, s10  }
0xf: {  	s12 =	simm.s32 $0x80;
	s4 =	sadd.s32 s7, s4;
	s11 =	sadd.s32 s8, s30  }
0x10: {  	s10 =	sadd.s32 $0x1000, s10;
	s4 =	sadd.s32 $0xDBCA00, s4;
	s6 =	sadd.s32 $0x62800, s11  }
0x11: {  	s7 =	sadd.s32 $0x63000, s11;
	s8 =	sadd.s32 $0x63800, s11;
	s11 =	simm.s32 $0x9  }
.LBB2_1:
0x12: {  	[tilespmem:s2], [sflag:$0x9] =	stream.linear.gather [hbm4b:s4+s2], $0x6400, $0x38;
	[tilespmem:$0x16400] =	vst v63  }
0x13: {  	_ =	swait.ge [sflag:s11], $0x6400  }
0x14: {  	[sflag:s11] =	ssyncset.done $0x0  }
0x15: {  	[sflag:s11] =	ssyncadd.s32 $0xFFFF9C00  }
0x16: {  	[tilespmem:s13], [sflag:$0x1] =	stream.indirect.gather [hbm4b:s3+s12], $0x80, s2, s12, $0xb8;
	[tilespmem:$0x16400] =	vst v63  }
0x17: {  	_ = 	snop  }
0x18: {  	[tilespmem:s14], [sflag:$0x2] =	stream.indirect.gather [hbm4b:s3+s12], $0x80, s12, s12, $0xb8;
	[tilespmem:$0x16400] =	vst v63  }
0x19: {  	_ = 	snop  }
0x1a: {  	[tilespmem:s16], [sflag:$0x3] =	stream.indirect.gather [hbm4b:s3+s12], $0x80, s15, s12, $0xb8;
	[tilespmem:$0x16400] =	vst v63  }
0x1b: {  	_ = 	snop  }
0x1c: {  	[tilespmem:s18], [sflag:$0x4] =	stream.indirect.gather [hbm4b:s3+s12], $0x80, s17, s12, $0xb8;
	[tilespmem:$0x16400] =	vst v63  }
0x1d: {  	_ =	swait.ge [sflag:s19], $0x4000  }
0x1e: {  	[sflag:s19] =	ssyncset.done $0x0  }
0x1f: {  	[sflag:s19] =	ssyncadd.s32 $0xFFFFC000  }
0x20: {  	[hbm4b:s5+s2] =	stream.linear.scatter [tilespmem:s13], [sflag:$0x5], $0x4000, $0x38;
	[tilespmem:$0x16400] =	vst v63  }
0x21: {  	_ =	swait.ge [sflag:s20], $0x4000  }
0x22: {  	[sflag:s20] =	ssyncset.done $0x0  }
0x23: {  	s29 =	simm.s32 $0x200;
	[sflag:s20] =	ssyncadd.s32 $0xFFFFC000  }
0x24: {  	[tilespmem:s13], [sflag:$0x1] =	stream.indirect.gather [hbm4b:s3+s12], $0x80, s29, s12, $0xb8;
	[tilespmem:$0x16400] =	vst v63  }
0x25: {  	_ =	swait.ge [sflag:s21], $0x4000  }
0x26: {  	[sflag:s21] =	ssyncset.done $0x0  }
0x27: {  	s29 =	sadd.s32 $0xFFFFF800, s10;
	[sflag:s21] =	ssyncadd.s32 $0xFFFFC000  }
0x28: {  	[hbm4b:s29+s2] =	stream.linear.scatter [tilespmem:s14], [sflag:$0x6], $0x4000, $0x38;
	[tilespmem:$0x16400] =	vst v63  }
0x29: {  	_ =	swait.ge [sflag:s22], $0x4000  }
0x2a: {  	[sflag:s22] =	ssyncset.done $0x0  }
0x2b: {  	s29 =	simm.s32 $0x280;
	[sflag:s22] =	ssyncadd.s32 $0xFFFFC000  }
0x2c: {  	[tilespmem:s14], [sflag:$0x2] =	stream.indirect.gather [hbm4b:s3+s12], $0x80, s29, s12, $0xb8;
	[tilespmem:$0x16400] =	vst v63  }
0x2d: {  	_ =	swait.ge [sflag:s23], $0x4000  }
0x2e: {  	[sflag:s23] =	ssyncset.done $0x0  }
0x2f: {  	[sflag:s23] =	ssyncadd.s32 $0xFFFFC000  }
0x30: {  	[hbm4b:s10+s2] =	stream.linear.scatter [tilespmem:s16], [sflag:$0x7], $0x4000, $0x38;
	[tilespmem:$0x16400] =	vst v63  }
0x31: {  	_ =	swait.ge [sflag:s24], $0x4000  }
0x32: {  	[sflag:s24] =	ssyncset.done $0x0  }
0x33: {  	s29 =	simm.s32 $0x300;
	[sflag:s24] =	ssyncadd.s32 $0xFFFFC000  }
0x34: {  	[tilespmem:s16], [sflag:$0x3] =	stream.indirect.gather [hbm4b:s3+s12], $0x80, s29, s12, $0xb8;
	[tilespmem:$0x16400] =	vst v63  }
0x35: {  	_ =	swait.ge [sflag:s25], $0x4000  }
0x36: {  	[sflag:s25] =	ssyncset.done $0x0  }
0x37: {  	s29 =	sadd.s32 $0x800, s10;
	[sflag:s25] =	ssyncadd.s32 $0xFFFFC000  }
0x38: {  	[hbm4b:s29+s2] =	stream.linear.scatter [tilespmem:s18], [sflag:$0x8], $0x4000, $0x38;
	[tilespmem:$0x16400] =	vst v63  }
0x39: {  	_ =	swait.ge [sflag:s26], $0x4000  }
0x3a: {  	[sflag:s26] =	ssyncset.done $0x0  }
0x3b: {  	s29 =	simm.s32 $0x380;
	[sflag:s26] =	ssyncadd.s32 $0xFFFFC000  }
0x3c: {  	[tilespmem:s18], [sflag:$0x4] =	stream.indirect.gather [hbm4b:s3+s12], $0x80, s29, s12, $0xb8;
	[tilespmem:$0x16400] =	vst v63  }
0x3d: {  	_ =	swait.ge [sflag:s19], $0x4000  }
0x3e: {  	s31 =	sadd.s32 $0x1000, s10;
	[sflag:s19] =	ssyncset.done $0x0  }
0x3f: {  	s30 =	sadd.s32 $0x2000, s10;
	s29 =	simm.s32 $0x800;
	[sflag:s19] =	ssyncadd.s32 $0xFFFFC000  }
.LBB2_2:
0x40: {  	[hbm4b:s31+s2] =	stream.linear.scatter [tilespmem:s13], [sflag:$0x5], $0x4000, $0x38;
	[tilespmem:$0x16400] =	vst v63  }
0x41: {  	s31 =	smov.u32 s29  }
0x42: {  	p0 =	sne.s32 s29, $0x18000;
	s29 =	sadd.s32 $0x800, s29;
	_ =	swait.ge [sflag:s20], $0x4000  }
0x43: {  	s31 =	sshra.s32 s31, $0x2;
	[sflag:s20] =	ssyncset.done $0x0  }
0x44: {  	s1 =	sadd.s32 $0x200, s31;
	[sflag:s20] =	ssyncadd.s32 $0xFFFFC000  }
0x45: {  	[tilespmem:s13], [sflag:$0x1] =	stream.indirect.gather [hbm4b:s3+s12], $0x80, s1, s12, $0xb8;
	[tilespmem:$0x16400] =	vst v63  }
0x46: {  	_ =	swait.ge [sflag:s21], $0x4000  }
0x47: {  	[sflag:s21] =	ssyncset.done $0x0  }
0x48: {  	s1 =	sadd.s32 $0xFFFFF800, s30;
	[sflag:s21] =	ssyncadd.s32 $0xFFFFC000  }
0x49: {  	[hbm4b:s1+s2] =	stream.linear.scatter [tilespmem:s14], [sflag:$0x6], $0x4000, $0x38;
	[tilespmem:$0x16400] =	vst v63  }
0x4a: {  	_ =	swait.ge [sflag:s22], $0x4000  }
0x4b: {  	[sflag:s22] =	ssyncset.done $0x0  }
0x4c: {  	s1 =	sadd.s32 $0x280, s31;
	[sflag:s22] =	ssyncadd.s32 $0xFFFFC000  }
0x4d: {  	[tilespmem:s14], [sflag:$0x2] =	stream.indirect.gather [hbm4b:s3+s12], $0x80, s1, s12, $0xb8;
	[tilespmem:$0x16400] =	vst v63  }
0x4e: {  	_ =	swait.ge [sflag:s23], $0x4000  }
0x4f: {  	[sflag:s23] =	ssyncset.done $0x0  }
0x50: {  	[sflag:s23] =	ssyncadd.s32 $0xFFFFC000  }
0x51: {  	[hbm4b:s30+s2] =	stream.linear.scatter [tilespmem:s16], [sflag:$0x7], $0x4000, $0x38;
	[tilespmem:$0x16400] =	vst v63  }
0x52: {  	_ =	swait.ge [sflag:s24], $0x4000  }
0x53: {  	[sflag:s24] =	ssyncset.done $0x0  }
0x54: {  	s1 =	sadd.s32 $0x300, s31;
	[sflag:s24] =	ssyncadd.s32 $0xFFFFC000  }
0x55: {  	[tilespmem:s16], [sflag:$0x3] =	stream.indirect.gather [hbm4b:s3+s12], $0x80, s1, s12, $0xb8;
	[tilespmem:$0x16400] =	vst v63  }
0x56: {  	_ =	swait.ge [sflag:s25], $0x4000  }
0x57: {  	[sflag:s25] =	ssyncset.done $0x0  }
0x58: {  	s1 =	sadd.s32 $0x800, s30;
	[sflag:s25] =	ssyncadd.s32 $0xFFFFC000  }
0x59: {  	[hbm4b:s1+s2] =	stream.linear.scatter [tilespmem:s18], [sflag:$0x8], $0x4000, $0x38;
	[tilespmem:$0x16400] =	vst v63  }
0x5a: {  	_ =	swait.ge [sflag:s26], $0x4000  }
0x5b: {  	[sflag:s26] =	ssyncset.done $0x0  }
.Ltmp0:
0x5c: {  	s1 =	sadd.s32 $0x380, s31;
	[sflag:s26] =	ssyncadd.s32 $0xFFFFC000;
	(pc) =	sbr.rel @p0 .LBB2_2-.Ltmp0, $4  }
0x5d: {  	[tilespmem:s18], [sflag:$0x4] =	stream.indirect.gather [hbm4b:s3+s12], $0x80, s1, s12, $0xb8;
	[tilespmem:$0x16400] =	vst v63  }
0x5e: {  	_ =	swait.ge [sflag:s19], $0x4000  }
0x5f: {  	[sflag:s19] =	ssyncset.done $0x0  }
0x60: {  	s31 =	sadd.s32 $0x1000, s30;
	s30 =	sadd.s32 $0x2000, s30;
	[sflag:s19] =	ssyncadd.s32 $0xFFFFC000  }
0x61: {  	[hbm4b:s31+s2] =	stream.linear.scatter [tilespmem:s13], [sflag:$0x5], $0x4000, $0x38;
	[tilespmem:$0x16400] =	vst v63  }
0x62: {  	_ =	swait.ge [sflag:s21], $0x4000  }
0x63: {  	[sflag:s21] =	ssyncset.done $0x0  }
0x64: {  	[sflag:s21] =	ssyncadd.s32 $0xFFFFC000  }
0x65: {  	[hbm4b:s6+s2] =	stream.linear.scatter [tilespmem:s14], [sflag:$0x6], $0x4000, $0x38;
	[tilespmem:$0x16400] =	vst v63  }
0x66: {  	_ =	swait.ge [sflag:s23], $0x4000  }
0x67: {  	[sflag:s23] =	ssyncset.done $0x0  }
0x68: {  	[sflag:s23] =	ssyncadd.s32 $0xFFFFC000  }
0x69: {  	[hbm4b:s7+s2] =	stream.linear.scatter [tilespmem:s16], [sflag:$0x7], $0x4000, $0x38;
	[tilespmem:$0x16400] =	vst v63  }
0x6a: {  	_ =	swait.ge [sflag:s25], $0x4000  }
0x6b: {  	[sflag:s25] =	ssyncset.done $0x0  }
0x6c: {  	[sflag:s25] =	ssyncadd.s32 $0xFFFFC000  }
0x6d: {  	[hbm4b:s8+s2] =	stream.linear.scatter [tilespmem:s18], [sflag:$0x8], $0x4000, $0x38;
	[tilespmem:$0x16400] =	vst v63  }
0x6e: {  	_ =	swait.ge [sflag:s20], $0x4000  }
0x6f: {  	[sflag:s20] =	ssyncset.done $0x0  }
0x70: {  	[sflag:s20] =	ssyncadd.s32 $0xFFFFC000  }
0x71: {  	_ =	swait.ge [sflag:s22], $0x4000  }
0x72: {  	[sflag:s22] =	ssyncset.done $0x0  }
0x73: {  	s28 =	sadd.s32 $0x1, s28;
	[sflag:s22] =	ssyncadd.s32 $0xFFFFC000  }
0x74: {  	p0 =	sne.s32 s28, s9;
	_ =	swait.ge [sflag:s24], $0x4000  }
.Ltmp1:
0x75: {  	[sflag:s24] =	ssyncset.done $0x0;
	(pc) =	sbr.rel @p0 .LBB2_1-.Ltmp1, $4  }
0x76: {  	[sflag:s24] =	ssyncadd.s32 $0xFFFFC000  }
0x77: {  	_ =	swait.ge [sflag:s26], $0x4000  }
0x78: {  	[sflag:s26] =	ssyncset.done $0x0  }
0x79: {  	[sflag:s26] =	ssyncadd.s32 $0xFFFFC000  }
0x7a: {  	_ =	sfence.sel $0x180000  }
0x7b: {  	[bflag:$0x0] =	sbarrier.arrive $0xFFFF  }
0x7c: {  	_ =	strace $0x90000047  }
0x7d: {  	[bflag:$0x2] =	sbarrier.arrive $0xFFFF  }
0x7e: {  	p0 =	sne.s32 s0, $0x0;
	s0 =	rddreg [dreg:$0x2]  }
0x7f: {  	s0 =	sadd.s32 @!p0 $0x100000, s0  }
0x80: {  	[sflag:s0] =	ssyncadd.tile.s32 @!p0 $0x1;
	_ =	shalt  }
.Lfunc_end2:
_tile_overlayer_lowered:
.L_overlay_start_2:
0x81: {  	(tag) =	ssettag $0x2  }
0x82: {  	s0 =	rddreg [dreg:$0x0];
	s2 =	stileid.u32  }
0x83: {  	s1 =	rddreg [dreg:$0x1];
	p0 =	sne.s32 s2, $0x0  }
0x84: {  	s3 =	rddreg [dreg:$0x2];
	[bflag:$0x3] =	sbarrier.arrive $0xFFFF;
	s2 =	simm.s32 @!p0 $0x1C09  }
0x85: {  	[timem:s3], [sflag:s2] =	dma.local @!p0 [hbm:s0], s1  }
0x86: {  	s0 =	simm.s32 @!p0 $0x9  }
0x87: {  	_ =	swait.ge @!p0 [sflag:s0], s1  }
0x88: {  	s1 =	ssub.s32 @!p0 $0x0, s1;
	[sflag:s0] =	ssyncset.done @!p0 $0x0  }
0x89: {  	[sflag:s0] =	ssyncadd.s32 @!p0 s1  }
0x8a: {  	[bflag:$0x3] =	sbarrier.arrive $0xFFFF  }
0x8b: {  	_ =	shalt  }

</sc_bundles>
